<compile_context>
chip_gen: v7x
topology: tpu7x:2x2x1
jax: 0.10.2.dev20260603
libtpu: 0.0.44.dev20260713+nightly
codegen_flags: <defaults>
</compile_context>

<pallas_src>
import jax
import jax.numpy as jnp
from jax import lax
from jax.experimental import pallas as pl
from jax.experimental.pallas import tpu as pltpu
from jax.experimental.pallas import tpu_sc as plsc

B = 16384
F = 26
V = 100000
D = 16
NDENSE = 13
EPS = 1e-3

NC = 2
NS = 16
NW = NC * NS

CB = B // NW
CHUNK_B = 128
NCHUNK = CB // CHUNK_B


VB = 13312
NVB = 8
VP = VB * NVB

KSC = 15
FTC = F - KSC
VPS = 102400
VCS = 1408
CPF = 71
UNITS_S = KSC * CPF
UPWS = (UNITS_S + NW - 1) // NW
TAIL_OFF = 99328


def _ta_body(x_ref, w_ref, o_ref):
    o_ref[:] = jnp.sum(x_ref[0] * w_ref[0], axis=0)


@jax.jit
def _tc_weighted_table(tbl_t, wemb3):
    return pl.pallas_call(
        _ta_body,
        grid=(FTC, NVB),
        in_specs=[
            pl.BlockSpec((1, D, VB), lambda f, v: (f + KSC, 0, v)),
            pl.BlockSpec((1, D, 1), lambda f, v: (f + KSC, 0, 0)),
        ],
        out_specs=pl.BlockSpec((VB,), lambda f, v: (f * NVB + v,)),
        out_shape=jax.ShapeDtypeStruct((FTC * VP,), jnp.float32),
    )(tbl_t, wemb3)


def _sa_body(tbl_hbm, w_hbm, t_hbm, buf, tout, w_v, sems):
    wid = lax.axis_index("s") * NC + lax.axis_index("c")
    pltpu.sync_copy(w_hbm, w_v)

    def unit(i):
        u = jnp.minimum(i * NW + wid, UNITS_S - 1)
        return u // CPF, lax.rem(u, CPF) * VCS

    def start(i, slot):
        f, v0 = unit(i)
        pltpu.async_copy(
            tbl_hbm.at[f, :, pl.ds(v0, VCS)], buf.at[slot], sems.at[slot]
        )

    start(0, 0)
    start(1, 1)

    def loop(i, _):
        slot = lax.rem(i, 2)
        f, v0 = unit(i)
        pltpu.make_async_copy(
            tbl_hbm.at[f, :, pl.ds(v0, VCS)], buf.at[slot], sems.at[slot]
        ).wait()
        wrow = w_v[pl.ds(f * D, D)]
        ws = [wrow[d] for d in range(D)]

        def grp(g, _):
            sl = pl.ds(g * 16, 16)
            acc = buf[slot, 0, sl] * ws[0]
            for d in range(1, D):
                acc = acc + buf[slot, d, sl] * ws[d]
            tout[sl] = acc
            return 0

        lax.fori_loop(0, VCS // 16, grp, 0)
        pltpu.sync_copy(tout, t_hbm.at[pl.ds(f * VPS + v0, VCS)])

        @pl.when(i + 2 < UPWS)
        def _():
            fs, vs = unit(i + 2)
            pltpu.async_copy(
                tbl_hbm.at[fs, :, pl.ds(vs, VCS)], buf.at[slot], sems.at[slot]
            )

        return 0

    lax.fori_loop(0, UPWS, loop, 0)


@jax.jit
def _sc_table(tbl_t, wflat):
    mesh = plsc.VectorSubcoreMesh(core_axis_name="c", subcore_axis_name="s")
    return pl.kernel(
        _sa_body,
        out_type=jax.ShapeDtypeStruct((KSC * VPS,), jnp.float32),
        mesh=mesh,
        scratch_types=[
            pltpu.VMEM((2, D, VCS), jnp.float32),
            pltpu.VMEM((VCS,), jnp.float32),
            pltpu.VMEM((F * D,), jnp.float32),
            pltpu.SemaphoreType.DMA((2,)),
        ],
        compiler_params=pltpu.CompilerParams(use_tc_tiling_on_sc=True),
    )(tbl_t, wflat)


def _tail_body(x_ref, w_ref, t_ref, o_ref, acc_v, sem):
    for f in range(KSC):
        acc_v[pl.ds(f * 1024, 1024)] = jnp.sum(x_ref[f] * w_ref[f], axis=0)
    copies = [
        pltpu.async_copy(
            acc_v.at[pl.ds(f * 1024, 1024)],
            o_ref.at[pl.ds(f * VPS + TAIL_OFF, 1024)],
            sem,
        )
        for f in range(KSC)
    ]
    for c in copies:
        c.wait()


@jax.jit
def _tc_tail(tbl_t, wemb3, t_sc):
    return pl.pallas_call(
        _tail_body,
        grid=(1,),
        in_specs=[
            pl.BlockSpec((KSC, D, 1024), lambda i: (0, 0, TAIL_OFF // 1024)),
            pl.BlockSpec((KSC, D, 1), lambda i: (0, 0, 0)),
            pl.BlockSpec(memory_space=pl.ANY),
        ],
        out_specs=pl.BlockSpec(memory_space=pl.ANY),
        out_shape=jax.ShapeDtypeStruct((KSC * VPS,), jnp.float32),
        scratch_shapes=[
            pltpu.VMEM((KSC * 1024,), jnp.float32),
            pltpu.SemaphoreType.DMA,
        ],
        input_output_aliases={2: 0},
    )(tbl_t, wemb3, t_sc)


def _phase_b_body(
    ts_hbm, tt_hbm, idx_hbm, d_hbm, out_hbm, idx_v, g_v, d_v, out_v, sem
):
    wid = lax.axis_index("s") * NC + lax.axis_index("c")
    b0 = wid * CB

    pltpu.sync_copy(idx_hbm.at[pl.ds(wid * NCHUNK, NCHUNK)], idx_v)
    pltpu.sync_copy(d_hbm.at[pl.ds(b0, CB)], d_v)
    copies = [
        pltpu.async_copy(
            (ts_hbm if f < KSC else tt_hbm).at[idx_v.at[ci, f]],
            g_v.at[ci, f],
            sem,
        )
        for ci in range(NCHUNK)
        for f in range(F)
    ]
    for c in copies:
        c.wait()

    def grp(g, _):
        ci = g // (CHUNK_B // 16)
        sl = pl.ds(lax.rem(g, CHUNK_B // 16) * 16, 16)
        gsl = pl.ds(g * 16, 16)
        z = g_v[ci, 0, sl] + d_v[gsl]
        for f in range(1, F):
            z = z + g_v[ci, f, sl]
        out_v[gsl] = 1.0 / (1.0 + jnp.exp(-z))
        return 0

    lax.fori_loop(0, CB // 16, grp, 0)
    pltpu.sync_copy(out_v, out_hbm.at[pl.ds(b0, CB)])


@jax.jit
def _sc_gather(t_sc, t_tc, idx3d, d):
    mesh = plsc.VectorSubcoreMesh(core_axis_name="c", subcore_axis_name="s")
    params = pltpu.CompilerParams(use_tc_tiling_on_sc=False)
    return pl.kernel(
        _phase_b_body,
        out_type=jax.ShapeDtypeStruct((B,), jnp.float32),
        mesh=mesh,
        scratch_types=[
            pltpu.VMEM((NCHUNK, F, CHUNK_B), jnp.int32),
            pltpu.VMEM((NCHUNK, F, CHUNK_B), jnp.float32),
            pltpu.VMEM((CB,), jnp.float32),
            pltpu.VMEM((CB,), jnp.float32),
            pltpu.SemaphoreType.DMA,
        ],
        compiler_params=params,
    )(t_sc, t_tc, idx3d, d)


def _stats_body(xt_ref, gamma_ref, beta_ref, wd_ref, b_ref, out_ref):
    x = xt_ref[:]
    mean = jnp.mean(x, axis=1, keepdims=True)
    var = jnp.mean((x - mean) ** 2, axis=1, keepdims=True)
    alpha = gamma_ref[:] * wd_ref[:] * lax.rsqrt(var + EPS)
    const = jnp.sum(beta_ref[:] * wd_ref[:]) - jnp.sum(alpha * mean) + b_ref[0, 0]
    out_ref[:] = jnp.sum(x * alpha, axis=0) + const


@jax.jit
def _tc_stats(x_t, gamma, beta, wd, b):
    return pl.pallas_call(
        _stats_body,
        out_shape=jax.ShapeDtypeStruct((B,), jnp.float32),
    )(x_t, gamma, beta, wd, b)


def kernel(sparse_indices, dense_features, emb_tables, gamma, beta, W, b):
    tbl_t = jnp.transpose(emb_tables, (0, 2, 1))
    wemb3 = W[: F * D, 0].reshape(F, D, 1)
    wflat = W[: F * D, 0]
    fidx = jnp.arange(F, dtype=jnp.int32)
    offs = jnp.where(fidx < KSC, fidx * VPS, (fidx - KSC) * VP)
    si3 = sparse_indices.reshape(B // CHUNK_B, CHUNK_B, F)
    idx3d = jnp.transpose(si3, (0, 2, 1)) + offs[None, :, None]
    t_sc = _tc_tail(tbl_t, wemb3, _sc_table(tbl_t, wflat))
    t_tc = _tc_weighted_table(tbl_t, wemb3)
    x_t = jnp.transpose(dense_features, (1, 0))
    d = _tc_stats(
        x_t,
        gamma.reshape(NDENSE, 1),
        beta.reshape(NDENSE, 1),
        W[F * D :, 0].reshape(NDENSE, 1),
        b.reshape(1, 1),
    )
    return _sc_gather(t_sc, t_tc, idx3d, d).reshape(B, 1)

# --- scband reference (transcript-rebuilt; emitter-appended) ---
"""Pipeline reference for scband-lr-2834678415445 (READ-ONLY COPY).

The authoritative reference and input builder live on the scoring server;
editing this copy changes nothing except your own understanding.
"""

import jax, jax.numpy as jnp
import numpy as np

B = 16384
F = 26
V = 100000
D = 16
NDENSE = 13
EPS = 1e-3

def setup_inputs(seed: int = 0) -> dict:
    key = jax.random.key(seed)
    k1, k2, k3, k4 = jax.random.split(key, 4)
    sparse_indices = jax.random.randint(k1, (B, F), 0, V, dtype=jnp.int32)
    dense_features = jax.random.normal(k2, (B, NDENSE), dtype=jnp.float32)
    emb_tables = jax.random.normal(k3, (F, V, D), dtype=jnp.float32) * 0.05
    gamma = jnp.ones((NDENSE,), dtype=jnp.float32)
    beta = jnp.zeros((NDENSE,), dtype=jnp.float32)
    W = jax.random.normal(k4, (F * D + NDENSE, 1), dtype=jnp.float32) * 0.02
    b = jnp.zeros((1,), dtype=jnp.float32)
    return {"sparse_indices": sparse_indices, "dense_features": dense_features,
            "emb_tables": emb_tables, "gamma": gamma, "beta": beta, "W": W, "b": b}

def reference(sparse_indices, dense_features, emb_tables, gamma, beta, W, b):
    # per-field embedding lookup: emb_tables[f][idx[:, f]] for each of F fields
    field_ids = jnp.arange(F, dtype=sparse_indices.dtype)[None, :]  # [1, F]
    emb = emb_tables[field_ids, sparse_indices]  # [B, F, D] gather
    emb_out = emb.reshape(B, F * D)  # concat of per-field embeddings
    # BatchNormalization on concatenated numerical features (training-mode batch stats)
    mean = jnp.mean(dense_features, axis=0)
    var = jnp.var(dense_features, axis=0)
    num_bn = gamma * (dense_features - mean) / jnp.sqrt(var + EPS) + beta
    x = jnp.concatenate([emb_out, num_bn], axis=-1)  # [B, F*D + NDENSE]
    logits = jax.nn.sigmoid(x @ W + b)  # dense(1, sigmoid)
    return logits

if __name__ == "__main__":
    import jax
    _d = setup_inputs()
    print(jax.jit(kernel)(*tuple(_d.values())))

</pallas_src>

<mosaic_0001>
#map = affine_map<(d0, d1) -> (0, 0, 0)>
#map1 = affine_map<(d0, d1) -> (0)>
module attributes {stable_mosaic.version = 14 : i64} {
  func.func @_sa_body(%arg0: i32, %arg1: i32, %arg2: memref<26x16x100000xf32, #tpu.memory_space<hbm>>, %arg3: memref<416xf32, #tpu.memory_space<hbm>>, %arg4: memref<1536000xf32, #tpu.memory_space<hbm>>, %arg5: memref<2x16x1408xf32, #tpu.memory_space<vmem>>, %arg6: memref<1408xf32, #tpu.memory_space<vmem>>, %arg7: memref<416xf32, #tpu.memory_space<vmem>>, %arg8: memref<2x!tpu.dma_semaphore, #tpu.memory_space<semaphore_mem>>) attributes {dimension_semantics = [#tpu.dimension_semantics<core_parallel>, #tpu.dimension_semantics<subcore_parallel>], iteration_bounds = array<i64: 2, 16>, scalar_prefetch = 0 : i64, scratch_operands = 4 : i64, tpu.core_type = #tpu.core_type<sc_vector_subcore>, window_params = [{transform_indices = #map}, {transform_indices = #map1}, {transform_indices = #map1}]} {
    %mul3A = arith.constant 2 : i32
    %mul3A_0 = arith.muli %arg1, %mul3A : i32
    %add3A = arith.addi %mul3A_0, %arg0 : i32
    "tpu.region"() ({
      %run_scoped3A = tpu.sem_alloc : memref<!tpu.dma_semaphore, #tpu.memory_space<semaphore_mem>>
      tpu.enqueue_dma source(%arg3 : memref<416xf32, #tpu.memory_space<hbm>>) target(%arg7 : memref<416xf32, #tpu.memory_space<vmem>>) target_semaphore(%run_scoped3A : memref<!tpu.dma_semaphore, #tpu.memory_space<semaphore_mem>>)
      tpu.wait_dma2 semaphore(%run_scoped3A : memref<!tpu.dma_semaphore, #tpu.memory_space<semaphore_mem>>) src(%arg3 : memref<416xf32, #tpu.memory_space<hbm>>) dst(%arg7 : memref<416xf32, #tpu.memory_space<vmem>>)
      tpu.yield
    }) : () -> ()
    %add3A_1 = arith.constant 0 : i32
    %add3A_2 = arith.addi %add3A_1, %add3A : i32
    %min3A = arith.constant 1064 : i32
    %min3A_3 = arith.minsi %add3A_2, %min3A : i32
    %jit3A = arith.constant 71 : i32
    %div3A = arith.divsi %min3A_3, %jit3A : i32
    %sign3A = arith.constant 0 : i32
    %sign3A_4 = arith.cmpi sgt, %min3A_3, %sign3A : i32
    %sign3A_5 = arith.extui %sign3A_4 : i1 to i32
    %sign3A_6 = arith.constant 0 : i32
    %sign3A_7 = arith.cmpi slt, %min3A_3, %sign3A_6 : i32
    %sign3A_8 = arith.extui %sign3A_7 : i1 to i32
    %sign3A_9 = arith.subi %sign3A_5, %sign3A_8 : i32
    %sign3A_10 = arith.constant 0 : i32
    %sign3A_11 = arith.cmpi sgt, %jit3A, %sign3A_10 : i32
    %sign3A_12 = arith.extui %sign3A_11 : i1 to i32
    %sign3A_13 = arith.constant 0 : i32
    %sign3A_14 = arith.cmpi slt, %jit3A, %sign3A_13 : i32
    %sign3A_15 = arith.extui %sign3A_14 : i1 to i32
    %sign3A_16 = arith.subi %sign3A_12, %sign3A_15 : i32
    %ne3A = arith.cmpi ne, %sign3A_9, %sign3A_16 : i32
    %rem3A = arith.remsi %min3A_3, %jit3A : i32
    %ne3A_17 = arith.constant 0 : i32
    %ne3A_18 = arith.cmpi ne, %rem3A, %ne3A_17 : i32
    %and3A = arith.andi %ne3A, %ne3A_18 : i1
    %sub3A = arith.constant 1 : i32
    %sub3A_19 = arith.subi %div3A, %sub3A : i32
    %select_n3A = arith.select %and3A, %sub3A_19, %div3A : i32
    %rem3A_20 = arith.constant 71 : i32
    %rem3A_21 = arith.remsi %min3A_3, %rem3A_20 : i32
    %mul3A_22 = arith.constant 1408 : i32
    %mul3A_23 = arith.muli %rem3A_21, %mul3A_22 : i32
    %dma_start3A = arith.constant 0 : i32
    %dma_start3A_24 = arith.constant 0 : i32
    %dma_start3A_25 = arith.constant 0 : i32
    %dma_start3A_26 = arith.constant 0 : i32
    %dma_start3A_27 = tpu.memref_slice %arg5[%dma_start3A, %dma_start3A_25, %dma_start3A_26] : memref<2x16x1408xf32, #tpu.memory_space<vmem>> -> memref<1x16x1408xf32, #tpu.memory_space<vmem>>
    %dma_start3A_28 = tpu.memref_squeeze %dma_start3A_27 : memref<1x16x1408xf32, #tpu.memory_space<vmem>> -> memref<16x1408xf32, #tpu.memory_space<vmem>>
    %dma_start3A_29 = arith.constant 0 : i32
    %dma_start3A_30 = tpu.memref_slice %arg2[%select_n3A, %dma_start3A_29, %mul3A_23] : memref<26x16x100000xf32, #tpu.memory_space<hbm>> -> memref<1x16x1408xf32, #tpu.memory_space<hbm>>
    %dma_start3A_31 = tpu.memref_squeeze %dma_start3A_30 : memref<1x16x1408xf32, #tpu.memory_space<hbm>> -> memref<16x1408xf32, #tpu.memory_space<hbm>>
    %dma_start3A_32 = tpu.memref_slice %arg8[%dma_start3A_24] : memref<2x!tpu.dma_semaphore, #tpu.memory_space<semaphore_mem>> -> memref<1x!tpu.dma_semaphore, #tpu.memory_space<semaphore_mem>>
    %dma_start3A_33 = tpu.memref_squeeze %dma_start3A_32 : memref<1x!tpu.dma_semaphore, #tpu.memory_space<semaphore_mem>> -> memref<!tpu.dma_semaphore, #tpu.memory_space<semaphore_mem>>
    %dma_start3A_34 = arith.constant 0 : i32
    %dma_start3A_35 = arith.constant 0 : i32
    %dma_start3A_36 = tpu.memref_slice %arg5[%dma_start3A, %dma_start3A_34, %dma_start3A_35] : memref<2x16x1408xf32, #tpu.memory_space<vmem>> -> memref<1x16x1408xf32, #tpu.memory_space<vmem>>
    %dma_start3A_37 = tpu.memref_squeeze %dma_start3A_36 : memref<1x16x1408xf32, #tpu.memory_space<vmem>> -> memref<16x1408xf32, #tpu.memory_space<vmem>>
    %dma_start3A_38 = arith.constant 0 : i32
    %dma_start3A_39 = tpu.memref_slice %arg2[%select_n3A, %dma_start3A_38, %mul3A_23] : memref<26x16x100000xf32, #tpu.memory_space<hbm>> -> memref<1x16x1408xf32, #tpu.memory_space<hbm>>
    %dma_start3A_40 = tpu.memref_squeeze %dma_start3A_39 : memref<1x16x1408xf32, #tpu.memory_space<hbm>> -> memref<16x1408xf32, #tpu.memory_space<hbm>>
    tpu.enqueue_dma source(%dma_start3A_40 : memref<16x1408xf32, #tpu.memory_space<hbm>>) target(%dma_start3A_37 : memref<16x1408xf32, #tpu.memory_space<vmem>>) target_semaphore(%dma_start3A_33 : memref<!tpu.dma_semaphore, #tpu.memory_space<semaphore_mem>>)
    %add3A_41 = arith.constant 32 : i32
    %add3A_42 = arith.addi %add3A_41, %add3A : i32
    %min3A_43 = arith.constant 1064 : i32
    %min3A_44 = arith.minsi %add3A_42, %min3A_43 : i32
    %jit3A_45 = arith.constant 71 : i32
    %div3A_46 = arith.divsi %min3A_44, %jit3A_45 : i32
    %sign3A_47 = arith.constant 0 : i32
    %sign3A_48 = arith.cmpi sgt, %min3A_44, %sign3A_47 : i32
    %sign3A_49 = arith.extui %sign3A_48 : i1 to i32
    %sign3A_50 = arith.constant 0 : i32
    %sign3A_51 = arith.cmpi slt, %min3A_44, %sign3A_50 : i32
    %sign3A_52 = arith.extui %sign3A_51 : i1 to i32
    %sign3A_53 = arith.subi %sign3A_49, %sign3A_52 : i32
    %sign3A_54 = arith.constant 0 : i32
    %sign3A_55 = arith.cmpi sgt, %jit3A_45, %sign3A_54 : i32
    %sign3A_56 = arith.extui %sign3A_55 : i1 to i32
    %sign3A_57 = arith.constant 0 : i32
    %sign3A_58 = arith.cmpi slt, %jit3A_45, %sign3A_57 : i32
    %sign3A_59 = arith.extui %sign3A_58 : i1 to i32
    %sign3A_60 = arith.subi %sign3A_56, %sign3A_59 : i32
    %ne3A_61 = arith.cmpi ne, %sign3A_53, %sign3A_60 : i32
    %rem3A_62 = arith.remsi %min3A_44, %jit3A_45 : i32
    %ne3A_63 = arith.constant 0 : i32
    %ne3A_64 = arith.cmpi ne, %rem3A_62, %ne3A_63 : i32
    %and3A_65 = arith.andi %ne3A_61, %ne3A_64 : i1
    %sub3A_66 = arith.constant 1 : i32
    %sub3A_67 = arith.subi %div3A_46, %sub3A_66 : i32
    %select_n3A_68 = arith.select %and3A_65, %sub3A_67, %div3A_46 : i32
    %rem3A_69 = arith.constant 71 : i32
    %rem3A_70 = arith.remsi %min3A_44, %rem3A_69 : i32
    %mul3A_71 = arith.constant 1408 : i32
    %mul3A_72 = arith.muli %rem3A_70, %mul3A_71 : i32
    %dma_start3A_73 = arith.constant 1 : i32
    %dma_start3A_74 = arith.constant 1 : i32
    %dma_start3A_75 = arith.constant 0 : i32
    %dma_start3A_76 = arith.constant 0 : i32
    %dma_start3A_77 = tpu.memref_slice %arg5[%dma_start3A_73, %dma_start3A_75, %dma_start3A_76] : memref<2x16x1408xf32, #tpu.memory_space<vmem>> -> memref<1x16x1408xf32, #tpu.memory_space<vmem>>
    %dma_start3A_78 = tpu.memref_squeeze %dma_start3A_77 : memref<1x16x1408xf32, #tpu.memory_space<vmem>> -> memref<16x1408xf32, #tpu.memory_space<vmem>>
    %dma_start3A_79 = arith.constant 0 : i32
    %dma_start3A_80 = tpu.memref_slice %arg2[%select_n3A_68, %dma_start3A_79, %mul3A_72] : memref<26x16x100000xf32, #tpu.memory_space<hbm>> -> memref<1x16x1408xf32, #tpu.memory_space<hbm>>
    %dma_start3A_81 = tpu.memref_squeeze %dma_start3A_80 : memref<1x16x1408xf32, #tpu.memory_space<hbm>> -> memref<16x1408xf32, #tpu.memory_space<hbm>>
    %dma_start3A_82 = tpu.memref_slice %arg8[%dma_start3A_74] : memref<2x!tpu.dma_semaphore, #tpu.memory_space<semaphore_mem>> -> memref<1x!tpu.dma_semaphore, #tpu.memory_space<semaphore_mem>>
    %dma_start3A_83 = tpu.memref_squeeze %dma_start3A_82 : memref<1x!tpu.dma_semaphore, #tpu.memory_space<semaphore_mem>> -> memref<!tpu.dma_semaphore, #tpu.memory_space<semaphore_mem>>
    %dma_start3A_84 = arith.constant 0 : i32
    %dma_start3A_85 = arith.constant 0 : i32
    %dma_start3A_86 = tpu.memref_slice %arg5[%dma_start3A_73, %dma_start3A_84, %dma_start3A_85] : memref<2x16x1408xf32, #tpu.memory_space<vmem>> -> memref<1x16x1408xf32, #tpu.memory_space<vmem>>
    %dma_start3A_87 = tpu.memref_squeeze %dma_start3A_86 : memref<1x16x1408xf32, #tpu.memory_space<vmem>> -> memref<16x1408xf32, #tpu.memory_space<vmem>>
    %dma_start3A_88 = arith.constant 0 : i32
    %dma_start3A_89 = tpu.memref_slice %arg2[%select_n3A_68, %dma_start3A_88, %mul3A_72] : memref<26x16x100000xf32, #tpu.memory_space<hbm>> -> memref<1x16x1408xf32, #tpu.memory_space<hbm>>
    %dma_start3A_90 = tpu.memref_squeeze %dma_start3A_89 : memref<1x16x1408xf32, #tpu.memory_space<hbm>> -> memref<16x1408xf32, #tpu.memory_space<hbm>>
    tpu.enqueue_dma source(%dma_start3A_90 : memref<16x1408xf32, #tpu.memory_space<hbm>>) target(%dma_start3A_87 : memref<16x1408xf32, #tpu.memory_space<vmem>>) target_semaphore(%dma_start3A_83 : memref<!tpu.dma_semaphore, #tpu.memory_space<semaphore_mem>>)
    %scan3A = arith.constant 0 : i32
    %scan3A_91 = arith.constant 0 : i32
    %scan3A_92 = arith.constant 34 : i32
    %scan3A_93 = arith.addi %scan3A_91, %scan3A_92 : i32
    %scan3A_94 = arith.constant 1 : i32
    %scan3A_95 = scf.for %scan3A_97 = %scan3A_91 to %scan3A_93 step %scan3A_94 iter_args(%scan3A_98 = %scan3A) -> (i32)  : i32 {
      %rem3A_99 = arith.constant 2 : i32
      %rem3A_100 = arith.remsi %scan3A_97, %rem3A_99 : i32
      %mul3A_101 = arith.constant 32 : i32
      %mul3A_102 = arith.muli %scan3A_97, %mul3A_101 : i32
      %add3A_103 = arith.addi %mul3A_102, %add3A : i32
      %min3A_104 = arith.constant 1064 : i32
      %min3A_105 = arith.minsi %add3A_103, %min3A_104 : i32
      %jit3A_106 = arith.constant 71 : i32
      %div3A_107 = arith.divsi %min3A_105, %jit3A_106 : i32
      %sign3A_108 = arith.constant 0 : i32
      %sign3A_109 = arith.cmpi sgt, %min3A_105, %sign3A_108 : i32
      %sign3A_110 = arith.extui %sign3A_109 : i1 to i32
      %sign3A_111 = arith.constant 0 : i32
      %sign3A_112 = arith.cmpi slt, %min3A_105, %sign3A_111 : i32
      %sign3A_113 = arith.extui %sign3A_112 : i1 to i32
      %sign3A_114 = arith.subi %sign3A_110, %sign3A_113 : i32
      %sign3A_115 = arith.constant 0 : i32
      %sign3A_116 = arith.cmpi sgt, %jit3A_106, %sign3A_115 : i32
      %sign3A_117 = arith.extui %sign3A_116 : i1 to i32
      %sign3A_118 = arith.constant 0 : i32
      %sign3A_119 = arith.cmpi slt, %jit3A_106, %sign3A_118 : i32
      %sign3A_120 = arith.extui %sign3A_119 : i1 to i32
      %sign3A_121 = arith.subi %sign3A_117, %sign3A_120 : i32
      %ne3A_122 = arith.cmpi ne, %sign3A_114, %sign3A_121 : i32
      %rem3A_123 = arith.remsi %min3A_105, %jit3A_106 : i32
      %ne3A_124 = arith.constant 0 : i32
      %ne3A_125 = arith.cmpi ne, %rem3A_123, %ne3A_124 : i32
      %and3A_126 = arith.andi %ne3A_122, %ne3A_125 : i1
      %sub3A_127 = arith.constant 1 : i32
      %sub3A_128 = arith.subi %div3A_107, %sub3A_127 : i32
      %select_n3A_129 = arith.select %and3A_126, %sub3A_128, %div3A_107 : i32
      %rem3A_130 = arith.constant 71 : i32
      %rem3A_131 = arith.remsi %min3A_105, %rem3A_130 : i32
      %mul3A_132 = arith.constant 1408 : i32
      %mul3A_133 = arith.muli %rem3A_131, %mul3A_132 : i32
      %dma_wait3A = arith.constant 0 : i32
      %dma_wait3A_134 = arith.constant 0 : i32
      %dma_wait3A_135 = tpu.memref_slice %arg5[%rem3A_100, %dma_wait3A, %dma_wait3A_134] : memref<2x16x1408xf32, #tpu.memory_space<vmem>> -> memref<1x16x1408xf32, #tpu.memory_space<vmem>>
      %dma_wait3A_136 = tpu.memref_squeeze %dma_wait3A_135 : memref<1x16x1408xf32, #tpu.memory_space<vmem>> -> memref<16x1408xf32, #tpu.memory_space<vmem>>
      %dma_wait3A_137 = arith.constant 0 : i32
      %dma_wait3A_138 = tpu.memref_slice %arg2[%select_n3A_129, %dma_wait3A_137, %mul3A_133] : memref<26x16x100000xf32, #tpu.memory_space<hbm>> -> memref<1x16x1408xf32, #tpu.memory_space<hbm>>
      %dma_wait3A_139 = tpu.memref_squeeze %dma_wait3A_138 : memref<1x16x1408xf32, #tpu.memory_space<hbm>> -> memref<16x1408xf32, #tpu.memory_space<hbm>>
      %dma_wait3A_140 = tpu.memref_slice %arg8[%rem3A_100] : memref<2x!tpu.dma_semaphore, #tpu.memory_space<semaphore_mem>> -> memref<1x!tpu.dma_semaphore, #tpu.memory_space<semaphore_mem>>
      %dma_wait3A_141 = tpu.memref_squeeze %dma_wait3A_140 : memref<1x!tpu.dma_semaphore, #tpu.memory_space<semaphore_mem>> -> memref<!tpu.dma_semaphore, #tpu.memory_space<semaphore_mem>>
      %dma_wait3A_142 = arith.constant 0 : i32
      %dma_wait3A_143 = arith.constant 0 : i32
      %dma_wait3A_144 = tpu.memref_slice %arg5[%rem3A_100, %dma_wait3A_142, %dma_wait3A_143] : memref<2x16x1408xf32, #tpu.memory_space<vmem>> -> memref<1x16x1408xf32, #tpu.memory_space<vmem>>
      %dma_wait3A_145 = tpu.memref_squeeze %dma_wait3A_144 : memref<1x16x1408xf32, #tpu.memory_space<vmem>> -> memref<16x1408xf32, #tpu.memory_space<vmem>>
      %dma_wait3A_146 = arith.constant 0 : i32
      %dma_wait3A_147 = tpu.memref_slice %arg2[%select_n3A_129, %dma_wait3A_146, %mul3A_133] : memref<26x16x100000xf32, #tpu.memory_space<hbm>> -> memref<1x16x1408xf32, #tpu.memory_space<hbm>>
      %dma_wait3A_148 = tpu.memref_squeeze %dma_wait3A_147 : memref<1x16x1408xf32, #tpu.memory_space<hbm>> -> memref<16x1408xf32, #tpu.memory_space<hbm>>
      tpu.wait_dma2 semaphore(%dma_wait3A_141 : memref<!tpu.dma_semaphore, #tpu.memory_space<semaphore_mem>>) src(%dma_wait3A_148 : memref<16x1408xf32, #tpu.memory_space<hbm>>) dst(%dma_wait3A_145 : memref<16x1408xf32, #tpu.memory_space<vmem>>)
      %mul3A_149 = arith.constant 16 : i32
      %mul3A_150 = arith.muli %select_n3A_129, %mul3A_149 : i32
      %get3A = arith.index_cast %mul3A_150 : i32 to index
      %get3A_151 = tpu.vector_load %arg7[%get3A] {strides = array<i32>} : memref<416xf32, #tpu.memory_space<vmem>>, vector<16xf32>,
      %get3A_152 = vector.shape_cast %get3A_151 : vector<16xf32> to vector<16xf32>
      %slice3A = vector.extract_strided_slice %get3A_152 {offsets = [0], sizes = [1], strides = [1]} : vector<16xf32> to vector<1xf32>
      %squeeze3A = vector.extract %slice3A[0] : f32 from vector<1xf32>
      %slice3A_153 = vector.extract_strided_slice %get3A_152 {offsets = [1], sizes = [1], strides = [1]} : vector<16xf32> to vector<1xf32>
      %squeeze3A_154 = vector.extract %slice3A_153[0] : f32 from vector<1xf32>
      %slice3A_155 = vector.extract_strided_slice %get3A_152 {offsets = [2], sizes = [1], strides = [1]} : vector<16xf32> to vector<1xf32>
      %squeeze3A_156 = vector.extract %slice3A_155[0] : f32 from vector<1xf32>
      %slice3A_157 = vector.extract_strided_slice %get3A_152 {offsets = [3], sizes = [1], strides = [1]} : vector<16xf32> to vector<1xf32>
      %squeeze3A_158 = vector.extract %slice3A_157[0] : f32 from vector<1xf32>
      %slice3A_159 = vector.extract_strided_slice %get3A_152 {offsets = [4], sizes = [1], strides = [1]} : vector<16xf32> to vector<1xf32>
      %squeeze3A_160 = vector.extract %slice3A_159[0] : f32 from vector<1xf32>
      %slice3A_161 = vector.extract_strided_slice %get3A_152 {offsets = [5], sizes = [1], strides = [1]} : vector<16xf32> to vector<1xf32>
      %squeeze3A_162 = vector.extract %slice3A_161[0] : f32 from vector<1xf32>
      %slice3A_163 = vector.extract_strided_slice %get3A_152 {offsets = [6], sizes = [1], strides = [1]} : vector<16xf32> to vector<1xf32>
      %squeeze3A_164 = vector.extract %slice3A_163[0] : f32 from vector<1xf32>
      %slice3A_165 = vector.extract_strided_slice %get3A_152 {offsets = [7], sizes = [1], strides = [1]} : vector<16xf32> to vector<1xf32>
      %squeeze3A_166 = vector.extract %slice3A_165[0] : f32 from vector<1xf32>
      %slice3A_167 = vector.extract_strided_slice %get3A_152 {offsets = [8], sizes = [1], strides = [1]} : vector<16xf32> to vector<1xf32>
      %squeeze3A_168 = vector.extract %slice3A_167[0] : f32 from vector<1xf32>
      %slice3A_169 = vector.extract_strided_slice %get3A_152 {offsets = [9], sizes = [1], strides = [1]} : vector<16xf32> to vector<1xf32>
      %squeeze3A_170 = vector.extract %slice3A_169[0] : f32 from vector<1xf32>
      %slice3A_171 = vector.extract_strided_slice %get3A_152 {offsets = [10], sizes = [1], strides = [1]} : vector<16xf32> to vector<1xf32>
      %squeeze3A_172 = vector.extract %slice3A_171[0] : f32 from vector<1xf32>
      %slice3A_173 = vector.extract_strided_slice %get3A_152 {offsets = [11], sizes = [1], strides = [1]} : vector<16xf32> to vector<1xf32>
      %squeeze3A_174 = vector.extract %slice3A_173[0] : f32 from vector<1xf32>
      %slice3A_175 = vector.extract_strided_slice %get3A_152 {offsets = [12], sizes = [1], strides = [1]} : vector<16xf32> to vector<1xf32>
      %squeeze3A_176 = vector.extract %slice3A_175[0] : f32 from vector<1xf32>
      %slice3A_177 = vector.extract_strided_slice %get3A_152 {offsets = [13], sizes = [1], strides = [1]} : vector<16xf32> to vector<1xf32>
      %squeeze3A_178 = vector.extract %slice3A_177[0] : f32 from vector<1xf32>
      %slice3A_179 = vector.extract_strided_slice %get3A_152 {offsets = [14], sizes = [1], strides = [1]} : vector<16xf32> to vector<1xf32>
      %squeeze3A_180 = vector.extract %slice3A_179[0] : f32 from vector<1xf32>
      %slice3A_181 = vector.extract_strided_slice %get3A_152 {offsets = [15], sizes = [1], strides = [1]} : vector<16xf32> to vector<1xf32>
      %squeeze3A_182 = vector.extract %slice3A_181[0] : f32 from vector<1xf32>
      %scan3A_183 = arith.constant 0 : i32
      %scan3A_184 = arith.constant 0 : i32
      %scan3A_185 = arith.constant 88 : i32
      %scan3A_186 = arith.addi %scan3A_184, %scan3A_185 : i32
      %scan3A_187 = arith.constant 1 : i32
      %scan3A_188 = scf.for %scan3A_198 = %scan3A_184 to %scan3A_186 step %scan3A_187 iter_args(%scan3A_199 = %scan3A_183) -> (i32)  : i32 {
        %mul3A_200 = arith.constant 16 : i32
        %mul3A_201 = arith.muli %scan3A_198, %mul3A_200 : i32
        %get3A_202 = arith.constant 0 : i32
        %get3A_203 = arith.index_cast %rem3A_100 : i32 to index
        %get3A_204 = arith.index_cast %get3A_202 : i32 to index
        %get3A_205 = arith.index_cast %mul3A_201 : i32 to index
        %get3A_206 = tpu.vector_load %arg5[%get3A_203, %get3A_204, %get3A_205] {strides = array<i32>} : memref<2x16x1408xf32, #tpu.memory_space<vmem>>, vector<1x1x16xf32>,
        %get3A_207 = vector.shape_cast %get3A_206 : vector<1x1x16xf32> to vector<16xf32>
        %mul3A_208 = vector.broadcast %squeeze3A : f32 to vector<16xf32>
        %mul3A_209 = arith.mulf %get3A_207, %mul3A_208 : vector<16xf32>
        %get3A_210 = arith.constant 1 : i32
        %get3A_211 = arith.index_cast %rem3A_100 : i32 to index
        %get3A_212 = arith.index_cast %get3A_210 : i32 to index
        %get3A_213 = arith.index_cast %mul3A_201 : i32 to index
        %get3A_214 = tpu.vector_load %arg5[%get3A_211, %get3A_212, %get3A_213] {strides = array<i32>} : memref<2x16x1408xf32, #tpu.memory_space<vmem>>, vector<1x1x16xf32>,
        %get3A_215 = vector.shape_cast %get3A_214 : vector<1x1x16xf32> to vector<16xf32>
        %mul3A_216 = vector.broadcast %squeeze3A_154 : f32 to vector<16xf32>
        %mul3A_217 = arith.mulf %get3A_215, %mul3A_216 : vector<16xf32>
        %add3A_218 = arith.addf %mul3A_209, %mul3A_217 : vector<16xf32>
        %get3A_219 = arith.constant 2 : i32
        %get3A_220 = arith.index_cast %rem3A_100 : i32 to index
        %get3A_221 = arith.index_cast %get3A_219 : i32 to index
        %get3A_222 = arith.index_cast %mul3A_201 : i32 to index
        %get3A_223 = tpu.vector_load %arg5[%get3A_220, %get3A_221, %get3A_222] {strides = array<i32>} : memref<2x16x1408xf32, #tpu.memory_space<vmem>>, vector<1x1x16xf32>,
        %get3A_224 = vector.shape_cast %get3A_223 : vector<1x1x16xf32> to vector<16xf32>
        %mul3A_225 = vector.broadcast %squeeze3A_156 : f32 to vector<16xf32>
        %mul3A_226 = arith.mulf %get3A_224, %mul3A_225 : vector<16xf32>
        %add3A_227 = arith.addf %add3A_218, %mul3A_226 : vector<16xf32>
        %get3A_228 = arith.constant 3 : i32
        %get3A_229 = arith.index_cast %rem3A_100 : i32 to index
        %get3A_230 = arith.index_cast %get3A_228 : i32 to index
        %get3A_231 = arith.index_cast %mul3A_201 : i32 to index
        %get3A_232 = tpu.vector_load %arg5[%get3A_229, %get3A_230, %get3A_231] {strides = array<i32>} : memref<2x16x1408xf32, #tpu.memory_space<vmem>>, vector<1x1x16xf32>,
        %get3A_233 = vector.shape_cast %get3A_232 : vector<1x1x16xf32> to vector<16xf32>
        %mul3A_234 = vector.broadcast %squeeze3A_158 : f32 to vector<16xf32>
        %mul3A_235 = arith.mulf %get3A_233, %mul3A_234 : vector<16xf32>
        %add3A_236 = arith.addf %add3A_227, %mul3A_235 : vector<16xf32>
        %get3A_237 = arith.constant 4 : i32
        %get3A_238 = arith.index_cast %rem3A_100 : i32 to index
        %get3A_239 = arith.index_cast %get3A_237 : i32 to index
        %get3A_240 = arith.index_cast %mul3A_201 : i32 to index
        %get3A_241 = tpu.vector_load %arg5[%get3A_238, %get3A_239, %get3A_240] {strides = array<i32>} : memref<2x16x1408xf32, #tpu.memory_space<vmem>>, vector<1x1x16xf32>,
        %get3A_242 = vector.shape_cast %get3A_241 : vector<1x1x16xf32> to vector<16xf32>
        %mul3A_243 = vector.broadcast %squeeze3A_160 : f32 to vector<16xf32>
        %mul3A_244 = arith.mulf %get3A_242, %mul3A_243 : vector<16xf32>
        %add3A_245 = arith.addf %add3A_236, %mul3A_244 : vector<16xf32>
        %get3A_246 = arith.constant 5 : i32
        %get3A_247 = arith.index_cast %rem3A_100 : i32 to index
        %get3A_248 = arith.index_cast %get3A_246 : i32 to index
        %get3A_249 = arith.index_cast %mul3A_201 : i32 to index
        %get3A_250 = tpu.vector_load %arg5[%get3A_247, %get3A_248, %get3A_249] {strides = array<i32>} : memref<2x16x1408xf32, #tpu.memory_space<vmem>>, vector<1x1x16xf32>,
        %get3A_251 = vector.shape_cast %get3A_250 : vector<1x1x16xf32> to vector<16xf32>
        %mul3A_252 = vector.broadcast %squeeze3A_162 : f32 to vector<16xf32>
        %mul3A_253 = arith.mulf %get3A_251, %mul3A_252 : vector<16xf32>
        %add3A_254 = arith.addf %add3A_245, %mul3A_253 : vector<16xf32>
        %get3A_255 = arith.constant 6 : i32
        %get3A_256 = arith.index_cast %rem3A_100 : i32 to index
        %get3A_257 = arith.index_cast %get3A_255 : i32 to index
        %get3A_258 = arith.index_cast %mul3A_201 : i32 to index
        %get3A_259 = tpu.vector_load %arg5[%get3A_256, %get3A_257, %get3A_258] {strides = array<i32>} : memref<2x16x1408xf32, #tpu.memory_space<vmem>>, vector<1x1x16xf32>,
        %get3A_260 = vector.shape_cast %get3A_259 : vector<1x1x16xf32> to vector<16xf32>
        %mul3A_261 = vector.broadcast %squeeze3A_164 : f32 to vector<16xf32>
        %mul3A_262 = arith.mulf %get3A_260, %mul3A_261 : vector<16xf32>
        %add3A_263 = arith.addf %add3A_254, %mul3A_262 : vector<16xf32>
        %get3A_264 = arith.constant 7 : i32
        %get3A_265 = arith.index_cast %rem3A_100 : i32 to index
        %get3A_266 = arith.index_cast %get3A_264 : i32 to index
        %get3A_267 = arith.index_cast %mul3A_201 : i32 to index
        %get3A_268 = tpu.vector_load %arg5[%get3A_265, %get3A_266, %get3A_267] {strides = array<i32>} : memref<2x16x1408xf32, #tpu.memory_space<vmem>>, vector<1x1x16xf32>,
        %get3A_269 = vector.shape_cast %get3A_268 : vector<1x1x16xf32> to vector<16xf32>
        %mul3A_270 = vector.broadcast %squeeze3A_166 : f32 to vector<16xf32>
        %mul3A_271 = arith.mulf %get3A_269, %mul3A_270 : vector<16xf32>
        %add3A_272 = arith.addf %add3A_263, %mul3A_271 : vector<16xf32>
        %get3A_273 = arith.constant 8 : i32
        %get3A_274 = arith.index_cast %rem3A_100 : i32 to index
        %get3A_275 = arith.index_cast %get3A_273 : i32 to index
        %get3A_276 = arith.index_cast %mul3A_201 : i32 to index
        %get3A_277 = tpu.vector_load %arg5[%get3A_274, %get3A_275, %get3A_276] {strides = array<i32>} : memref<2x16x1408xf32, #tpu.memory_space<vmem>>, vector<1x1x16xf32>,
        %get3A_278 = vector.shape_cast %get3A_277 : vector<1x1x16xf32> to vector<16xf32>
        %mul3A_279 = vector.broadcast %squeeze3A_168 : f32 to vector<16xf32>
        %mul3A_280 = arith.mulf %get3A_278, %mul3A_279 : vector<16xf32>
        %add3A_281 = arith.addf %add3A_272, %mul3A_280 : vector<16xf32>
        %get3A_282 = arith.constant 9 : i32
        %get3A_283 = arith.index_cast %rem3A_100 : i32 to index
        %get3A_284 = arith.index_cast %get3A_282 : i32 to index
        %get3A_285 = arith.index_cast %mul3A_201 : i32 to index
        %get3A_286 = tpu.vector_load %arg5[%get3A_283, %get3A_284, %get3A_285] {strides = array<i32>} : memref<2x16x1408xf32, #tpu.memory_space<vmem>>, vector<1x1x16xf32>,
        %get3A_287 = vector.shape_cast %get3A_286 : vector<1x1x16xf32> to vector<16xf32>
        %mul3A_288 = vector.broadcast %squeeze3A_170 : f32 to vector<16xf32>
        %mul3A_289 = arith.mulf %get3A_287, %mul3A_288 : vector<16xf32>
        %add3A_290 = arith.addf %add3A_281, %mul3A_289 : vector<16xf32>
        %get3A_291 = arith.constant 10 : i32
        %get3A_292 = arith.index_cast %rem3A_100 : i32 to index
        %get3A_293 = arith.index_cast %get3A_291 : i32 to index
        %get3A_294 = arith.index_cast %mul3A_201 : i32 to index
        %get3A_295 = tpu.vector_load %arg5[%get3A_292, %get3A_293, %get3A_294] {strides = array<i32>} : memref<2x16x1408xf32, #tpu.memory_space<vmem>>, vector<1x1x16xf32>,
        %get3A_296 = vector.shape_cast %get3A_295 : vector<1x1x16xf32> to vector<16xf32>
        %mul3A_297 = vector.broadcast %squeeze3A_172 : f32 to vector<16xf32>
        %mul3A_298 = arith.mulf %get3A_296, %mul3A_297 : vector<16xf32>
        %add3A_299 = arith.addf %add3A_290, %mul3A_298 : vector<16xf32>
        %get3A_300 = arith.constant 11 : i32
        %get3A_301 = arith.index_cast %rem3A_100 : i32 to index
        %get3A_302 = arith.index_cast %get3A_300 : i32 to index
        %get3A_303 = arith.index_cast %mul3A_201 : i32 to index
        %get3A_304 = tpu.vector_load %arg5[%get3A_301, %get3A_302, %get3A_303] {strides = array<i32>} : memref<2x16x1408xf32, #tpu.memory_space<vmem>>, vector<1x1x16xf32>,
        %get3A_305 = vector.shape_cast %get3A_304 : vector<1x1x16xf32> to vector<16xf32>
        %mul3A_306 = vector.broadcast %squeeze3A_174 : f32 to vector<16xf32>
        %mul3A_307 = arith.mulf %get3A_305, %mul3A_306 : vector<16xf32>
        %add3A_308 = arith.addf %add3A_299, %mul3A_307 : vector<16xf32>
        %get3A_309 = arith.constant 12 : i32
        %get3A_310 = arith.index_cast %rem3A_100 : i32 to index
        %get3A_311 = arith.index_cast %get3A_309 : i32 to index
        %get3A_312 = arith.index_cast %mul3A_201 : i32 to index
        %get3A_313 = tpu.vector_load %arg5[%get3A_310, %get3A_311, %get3A_312] {strides = array<i32>} : memref<2x16x1408xf32, #tpu.memory_space<vmem>>, vector<1x1x16xf32>,
        %get3A_314 = vector.shape_cast %get3A_313 : vector<1x1x16xf32> to vector<16xf32>
        %mul3A_315 = vector.broadcast %squeeze3A_176 : f32 to vector<16xf32>
        %mul3A_316 = arith.mulf %get3A_314, %mul3A_315 : vector<16xf32>
        %add3A_317 = arith.addf %add3A_308, %mul3A_316 : vector<16xf32>
        %get3A_318 = arith.constant 13 : i32
        %get3A_319 = arith.index_cast %rem3A_100 : i32 to index
        %get3A_320 = arith.index_cast %get3A_318 : i32 to index
        %get3A_321 = arith.index_cast %mul3A_201 : i32 to index
        %get3A_322 = tpu.vector_load %arg5[%get3A_319, %get3A_320, %get3A_321] {strides = array<i32>} : memref<2x16x1408xf32, #tpu.memory_space<vmem>>, vector<1x1x16xf32>,
        %get3A_323 = vector.shape_cast %get3A_322 : vector<1x1x16xf32> to vector<16xf32>
        %mul3A_324 = vector.broadcast %squeeze3A_178 : f32 to vector<16xf32>
        %mul3A_325 = arith.mulf %get3A_323, %mul3A_324 : vector<16xf32>
        %add3A_326 = arith.addf %add3A_317, %mul3A_325 : vector<16xf32>
        %get3A_327 = arith.constant 14 : i32
        %get3A_328 = arith.index_cast %rem3A_100 : i32 to index
        %get3A_329 = arith.index_cast %get3A_327 : i32 to index
        %get3A_330 = arith.index_cast %mul3A_201 : i32 to index
        %get3A_331 = tpu.vector_load %arg5[%get3A_328, %get3A_329, %get3A_330] {strides = array<i32>} : memref<2x16x1408xf32, #tpu.memory_space<vmem>>, vector<1x1x16xf32>,
        %get3A_332 = vector.shape_cast %get3A_331 : vector<1x1x16xf32> to vector<16xf32>
        %mul3A_333 = vector.broadcast %squeeze3A_180 : f32 to vector<16xf32>
        %mul3A_334 = arith.mulf %get3A_332, %mul3A_333 : vector<16xf32>
        %add3A_335 = arith.addf %add3A_326, %mul3A_334 : vector<16xf32>
        %get3A_336 = arith.constant 15 : i32
        %get3A_337 = arith.index_cast %rem3A_100 : i32 to index
        %get3A_338 = arith.index_cast %get3A_336 : i32 to index
        %get3A_339 = arith.index_cast %mul3A_201 : i32 to index
        %get3A_340 = tpu.vector_load %arg5[%get3A_337, %get3A_338, %get3A_339] {strides = array<i32>} : memref<2x16x1408xf32, #tpu.memory_space<vmem>>, vector<1x1x16xf32>,
        %get3A_341 = vector.shape_cast %get3A_340 : vector<1x1x16xf32> to vector<16xf32>
        %mul3A_342 = vector.broadcast %squeeze3A_182 : f32 to vector<16xf32>
        %mul3A_343 = arith.mulf %get3A_341, %mul3A_342 : vector<16xf32>
        %add3A_344 = arith.addf %add3A_335, %mul3A_343 : vector<16xf32>
        %swap3A = arith.index_cast %mul3A_201 : i32 to index
        %swap3A_345 = tpu.vector_load %arg6[%swap3A] {strides = array<i32>} : memref<1408xf32, #tpu.memory_space<vmem>>, vector<16xf32>,
        %swap3A_346 = vector.shape_cast %swap3A_345 : vector<16xf32> to vector<16xf32>
        %swap3A_347 = vector.shape_cast %add3A_344 : vector<16xf32> to vector<16xf32>
        tpu.vector_store %arg6[%swap3A], %swap3A_347 {strides = array<i32>} : memref<1408xf32, #tpu.memory_space<vmem>>, vector<16xf32>,
        %scan3A_348 = arith.constant 0 : i32
        scf.yield %scan3A_348 : i32
      }
      %scan3A_189 = arith.constant 88 : i32
      %mul3A_190 = arith.constant 102400 : i32
      %mul3A_191 = arith.muli %select_n3A_129, %mul3A_190 : i32
      %add3A_192 = arith.addi %mul3A_191, %mul3A_133 : i32
      "tpu.region"() ({
        %run_scoped3A = tpu.sem_alloc : memref<!tpu.dma_semaphore, #tpu.memory_space<semaphore_mem>>
        %dma_start3A_198 = tpu.memref_slice %arg4[%add3A_192] : memref<1536000xf32, #tpu.memory_space<hbm>> -> memref<1408xf32, #tpu.memory_space<hbm>>
        %dma_start3A_199 = tpu.memref_slice %arg4[%add3A_192] : memref<1536000xf32, #tpu.memory_space<hbm>> -> memref<1408xf32, #tpu.memory_space<hbm>>
        tpu.enqueue_dma source(%arg6 : memref<1408xf32, #tpu.memory_space<vmem>>) target(%dma_start3A_199 : memref<1408xf32, #tpu.memory_space<hbm>>) target_semaphore(%run_scoped3A : memref<!tpu.dma_semaphore, #tpu.memory_space<semaphore_mem>>)
        %dma_wait3A_200 = tpu.memref_slice %arg4[%add3A_192] : memref<1536000xf32, #tpu.memory_space<hbm>> -> memref<1408xf32, #tpu.memory_space<hbm>>
        %dma_wait3A_201 = tpu.memref_slice %arg4[%add3A_192] : memref<1536000xf32, #tpu.memory_space<hbm>> -> memref<1408xf32, #tpu.memory_space<hbm>>
        tpu.wait_dma2 semaphore(%run_scoped3A : memref<!tpu.dma_semaphore, #tpu.memory_space<semaphore_mem>>) src(%arg6 : memref<1408xf32, #tpu.memory_space<vmem>>) dst(%dma_wait3A_201 : memref<1408xf32, #tpu.memory_space<hbm>>)
        tpu.yield
      }) : () -> ()
      %add3A_193 = arith.constant 2 : i32
      %add3A_194 = arith.addi %scan3A_97, %add3A_193 : i32
      %lt3A = arith.constant 34 : i32
      %lt3A_195 = arith.cmpi slt, %add3A_194, %lt3A : i32
      %convert_element_type3A = arith.extui %lt3A_195 : i1 to i32
      %cond3A = arith.constant 0 : i32
      %cond3A_196 = arith.cmpi ne, %convert_element_type3A, %cond3A : i32
      scf.if %cond3A_196 {
        %add3A_198 = arith.constant 2 : i32
        %add3A_199 = arith.addi %scan3A_97, %add3A_198 : i32
        %mul3A_200 = arith.constant 32 : i32
        %mul3A_201 = arith.muli %add3A_199, %mul3A_200 : i32
        %add3A_202 = arith.addi %mul3A_201, %add3A : i32
        %min3A_203 = arith.constant 1064 : i32
        %min3A_204 = arith.minsi %add3A_202, %min3A_203 : i32
        %jit3A_205 = arith.constant 71 : i32
        %div3A_206 = arith.divsi %min3A_204, %jit3A_205 : i32
        %sign3A_207 = arith.constant 0 : i32
        %sign3A_208 = arith.cmpi sgt, %min3A_204, %sign3A_207 : i32
        %sign3A_209 = arith.extui %sign3A_208 : i1 to i32
        %sign3A_210 = arith.constant 0 : i32
        %sign3A_211 = arith.cmpi slt, %min3A_204, %sign3A_210 : i32
        %sign3A_212 = arith.extui %sign3A_211 : i1 to i32
        %sign3A_213 = arith.subi %sign3A_209, %sign3A_212 : i32
        %sign3A_214 = arith.constant 0 : i32
        %sign3A_215 = arith.cmpi sgt, %jit3A_205, %sign3A_214 : i32
        %sign3A_216 = arith.extui %sign3A_215 : i1 to i32
        %sign3A_217 = arith.constant 0 : i32
        %sign3A_218 = arith.cmpi slt, %jit3A_205, %sign3A_217 : i32
        %sign3A_219 = arith.extui %sign3A_218 : i1 to i32
        %sign3A_220 = arith.subi %sign3A_216, %sign3A_219 : i32
        %ne3A_221 = arith.cmpi ne, %sign3A_213, %sign3A_220 : i32
        %rem3A_222 = arith.remsi %min3A_204, %jit3A_205 : i32
        %ne3A_223 = arith.constant 0 : i32
        %ne3A_224 = arith.cmpi ne, %rem3A_222, %ne3A_223 : i32
        %and3A_225 = arith.andi %ne3A_221, %ne3A_224 : i1
        %sub3A_226 = arith.constant 1 : i32
        %sub3A_227 = arith.subi %div3A_206, %sub3A_226 : i32
        %select_n3A_228 = arith.select %and3A_225, %sub3A_227, %div3A_206 : i32
        %rem3A_229 = arith.constant 71 : i32
        %rem3A_230 = arith.remsi %min3A_204, %rem3A_229 : i32
        %mul3A_231 = arith.constant 1408 : i32
        %mul3A_232 = arith.muli %rem3A_230, %mul3A_231 : i32
        %dma_start3A_233 = arith.constant 0 : i32
        %dma_start3A_234 = arith.constant 0 : i32
        %dma_start3A_235 = tpu.memref_slice %arg5[%rem3A_100, %dma_start3A_233, %dma_start3A_234] : memref<2x16x1408xf32, #tpu.memory_space<vmem>> -> memref<1x16x1408xf32, #tpu.memory_space<vmem>>
        %dma_start3A_236 = tpu.memref_squeeze %dma_start3A_235 : memref<1x16x1408xf32, #tpu.memory_space<vmem>> -> memref<16x1408xf32, #tpu.memory_space<vmem>>
        %dma_start3A_237 = arith.constant 0 : i32
        %dma_start3A_238 = tpu.memref_slice %arg2[%select_n3A_228, %dma_start3A_237, %mul3A_232] : memref<26x16x100000xf32, #tpu.memory_space<hbm>> -> memref<1x16x1408xf32, #tpu.memory_space<hbm>>
        %dma_start3A_239 = tpu.memref_squeeze %dma_start3A_238 : memref<1x16x1408xf32, #tpu.memory_space<hbm>> -> memref<16x1408xf32, #tpu.memory_space<hbm>>
        %dma_start3A_240 = tpu.memref_slice %arg8[%rem3A_100] : memref<2x!tpu.dma_semaphore, #tpu.memory_space<semaphore_mem>> -> memref<1x!tpu.dma_semaphore, #tpu.memory_space<semaphore_mem>>
        %dma_start3A_241 = tpu.memref_squeeze %dma_start3A_240 : memref<1x!tpu.dma_semaphore, #tpu.memory_space<semaphore_mem>> -> memref<!tpu.dma_semaphore, #tpu.memory_space<semaphore_mem>>
        %dma_start3A_242 = arith.constant 0 : i32
        %dma_start3A_243 = arith.constant 0 : i32
        %dma_start3A_244 = tpu.memref_slice %arg5[%rem3A_100, %dma_start3A_242, %dma_start3A_243] : memref<2x16x1408xf32, #tpu.memory_space<vmem>> -> memref<1x16x1408xf32, #tpu.memory_space<vmem>>
        %dma_start3A_245 = tpu.memref_squeeze %dma_start3A_244 : memref<1x16x1408xf32, #tpu.memory_space<vmem>> -> memref<16x1408xf32, #tpu.memory_space<vmem>>
        %dma_start3A_246 = arith.constant 0 : i32
        %dma_start3A_247 = tpu.memref_slice %arg2[%select_n3A_228, %dma_start3A_246, %mul3A_232] : memref<26x16x100000xf32, #tpu.memory_space<hbm>> -> memref<1x16x1408xf32, #tpu.memory_space<hbm>>
        %dma_start3A_248 = tpu.memref_squeeze %dma_start3A_247 : memref<1x16x1408xf32, #tpu.memory_space<hbm>> -> memref<16x1408xf32, #tpu.memory_space<hbm>>
        tpu.enqueue_dma source(%dma_start3A_248 : memref<16x1408xf32, #tpu.memory_space<hbm>>) target(%dma_start3A_245 : memref<16x1408xf32, #tpu.memory_space<vmem>>) target_semaphore(%dma_start3A_241 : memref<!tpu.dma_semaphore, #tpu.memory_space<semaphore_mem>>)
      } else {
      }
      %scan3A_197 = arith.constant 0 : i32
      scf.yield %scan3A_197 : i32
    }
    %scan3A_96 = arith.constant 34 : i32
    return
  }
}

</mosaic_0001>

<sc_bundles>
// kernel: _sc_table.3.cloned.1.call-start
scs
__scs_entry_jumppad:
0x0: {  	(pc) =	sbr.rel $0x88, $3  }
0x1: {  	(tag) =	ssettag $0x0;
	lr =	simm.s32 $0x1  }
0x2: {  	[smem:$0x3F9F] =	sst lr;
	_ =	strace $0xD0000000  }
0x3: {  	_ = 	snop  }
0x4: {  	_ = 	snop  }
0x5: {  	_ = 	snop  }
0x6: {  	_ = 	snop  }
0x7: {  	_ = 	snop  }
__scs_overlays_trampoline_lowered:
0x8: {  	[smem:$0x3FAE] =	sst s0  }
0x9: {  	[smem:$0x3FAF] =	sst s1  }
0xa: {  	[smem:$0x3FB0] =	sst s2  }
0xb: {  	[smem:$0x3FB1] =	sst s3  }
0xc: {  	[smem:$0x3FB2] =	sst s4  }
0xd: {  	[smem:$0x3FB3] =	sst s5  }
0xe: {  	[smem:$0x3FB4] =	sst s6  }
0xf: {  	[smem:$0x3FB5] =	sst s7  }
0x10: {  	[smem:$0x3FB6] =	sst s8  }
0x11: {  	[smem:$0x3FB7] =	sst s9;
	s0 =	simm.s32 @!p0 $0x0  }
0x12: {  	s1 =	sld [smem:$0x3F9D];
	s0 =	simm.s32 @p0 $0x1  }
0x13: {  	[smem:$0x3FB8] =	sst s0;
	s0 =	simm.s32 @!p1 $0x0  }
0x14: {  	s2 =	sld [smem:$0x3F9C];
	s0 =	simm.s32 @p1 $0x1  }
0x15: {  	[smem:$0x3FB9] =	sst s0;
	s0 =	simm.s32 @!p2 $0x0  }
0x16: {  	s3 =	sld [smem:$0x3FDB];
	s0 =	simm.s32 @p2 $0x1  }
0x17: {  	s4 =	simm.s32 $0x1BF5;
	[smem:$0x3FBB] =	sst s0  }
0x18: {  	s0 =	sld [smem:$0x3F9E];
	_ =	swait.ge [sflag:s4], $0x0  }
0x19: {  	s7 =	sld [smem:$0x3F9F]  }
0x1a: {  	s8 =	sadd.s32 $0xFFFFE003, lr  }
0x1b: {  	s9 =	sadd.s32 $0xFFFFFEF7, lr;
	s5 =	simm.s32 $0xFFFFFFFF;
	p2 =	slt.u32 s8, $0xFFFFF086  }
0x1c: {  	p1 =	slt.u32 s9, $0xF7A;
	s5 =	simm.s32 @!p2 $0x0  }
0x1d: {  	s5 =	simm.s32 @p1 $0x1;
	p0 =	seq.s32 s7, s2  }
0x1e: {  	s7 =	smul.u32 @!p0 $0xF7A, s2;
	p2 =	seq.s32 @!p0 s5, $0x0  }
0x1f: {  	s9 =	smul.u32 $0xF7A, s1;
	s8 =	simm.s32 @!p0 $0x1BF5;
	p2 =	por !p2, p0  }
0x20: {  	[sflag:s8] =	ssyncset.s32 @!p0 $0xFFFFF086;
	s6 =	sadd.s32 @!p0 s3, s7;
	s7 =	simm.s32 @!p0 $0x108  }
0x21: {  	s3 =	sadd.s32 s3, s9;
	s6 =	sadd.s32 @!p0 $0x88, s6;
	s7 =	simm.s32 @p2 $0x1082  }
0x22: {  	[simem:s7], [sflag:s8] =	dma.local @!p0 [hbm:s6], $0xF7A  }
0x23: {  	s9 =	sor.u32 $0xD0000000, s2;
	s6 =	simm.s32 $0x108;
	_ =	swait.ge @!p0 [sflag:s8], $0x0  }
0x24: {  	s3 =	sadd.s32 $0x88, s3;
	s6 =	simm.s32 @!p1 $0x1082;
	[sflag:s4] =	ssyncset.s32 $0xFFFFF086  }
0x25: {  	[simem:s6], [sflag:s4] =	dma.local [hbm:s3], $0xF7A  }
0x26: {  	[smem:$0x3F9F] =	sst s1;
	(tag) =	ssettag s2;
	_ =	strace s9  }
0x27: {  	s1 =	sld [smem:$0x3FAF]  }
0x28: {  	s2 =	sld [smem:$0x3FB0]  }
0x29: {  	s4 =	sld [smem:$0x3FB2]  }
0x2a: {  	p0 =	seq.s32 s5, $0x0;
	s5 =	sld [smem:$0x3FB3]  }
0x2b: {  	s6 =	sld [smem:$0x3FB4]  }
0x2c: {  	s7 =	sld [smem:$0x3FB5]  }
0x2d: {  	s3 =	simm.s32 $0x108;
	s8 =	sld [smem:$0x3FB6]  }
0x2e: {  	s3 =	simm.s32 @!p0 $0x1082;
	s9 =	sld [smem:$0x3FB7]  }
0x2f: {  	lr =	sadd.s32 s0, s3;
	s0 =	sld [smem:$0x3FAE]  }
0x30: {  	s3 =	sld [smem:$0x3FB1]  }
0x31: {  	[smem:$0x3FBA] =	sst s10  }
0x32: {  	s10 =	sld [smem:$0x3FB8];
	_ =	sdelay $0x3  }
0x33: {  	p0 =	seq.s32 s10, $0x1;
	s10 =	sld [smem:$0x3FBA];
	_ =	sdelay $0x3  }
0x34: {  	[smem:$0x3FBA] =	sst s10  }
0x35: {  	s10 =	sld [smem:$0x3FB9];
	_ =	sdelay $0x3  }
0x36: {  	p1 =	seq.s32 s10, $0x1;
	s10 =	sld [smem:$0x3FBA];
	_ =	sdelay $0x3  }
0x37: {  	[smem:$0x3FBA] =	sst s10  }
0x38: {  	s10 =	sld [smem:$0x3FBB]  }
0x39: {  	_ = 	snop;
	(pc) =	sbr.ind lr, $3  }
0x3a: {  	_ = 	snop  }
0x3b: {  	_ = 	snop  }
0x3c: {  	p2 =	seq.s32 s10, $0x1;
	s10 =	sld [smem:$0x3FBA]  }
0x3d: {  	_ =	shalt  }
0x3e: {  	_ =	shalt  }
0x3f: {  	_ =	shalt  }
0x40: {  	_ =	shalt  }
0x41: {  	_ =	shalt  }
0x42: {  	_ =	shalt  }
0x43: {  	_ =	shalt  }
0x44: {  	_ =	shalt  }
0x45: {  	_ =	shalt  }
0x46: {  	_ =	shalt  }
0x47: {  	_ =	shalt  }
0x48: {  	_ =	shalt  }
0x49: {  	_ =	shalt  }
0x4a: {  	_ =	shalt  }
0x4b: {  	_ =	shalt  }
0x4c: {  	_ =	shalt  }
0x4d: {  	_ =	shalt  }
0x4e: {  	_ =	shalt  }
0x4f: {  	_ =	shalt  }
0x50: {  	_ =	shalt  }
0x51: {  	_ =	shalt  }
0x52: {  	_ =	shalt  }
0x53: {  	_ =	shalt  }
0x54: {  	_ =	shalt  }
0x55: {  	_ =	shalt  }
0x56: {  	_ =	shalt  }
0x57: {  	_ =	shalt  }
0x58: {  	_ =	shalt  }
0x59: {  	_ =	shalt  }
0x5a: {  	_ =	shalt  }
0x5b: {  	_ =	shalt  }
0x5c: {  	_ =	shalt  }
0x5d: {  	_ =	shalt  }
0x5e: {  	_ =	shalt  }
0x5f: {  	_ =	shalt  }
0x60: {  	_ =	shalt  }
0x61: {  	_ =	shalt  }
0x62: {  	_ =	shalt  }
0x63: {  	_ =	shalt  }
0x64: {  	_ =	shalt  }
0x65: {  	_ =	shalt  }
0x66: {  	_ =	shalt  }
0x67: {  	_ =	shalt  }
0x68: {  	_ =	shalt  }
0x69: {  	_ =	shalt  }
0x6a: {  	_ =	shalt  }
0x6b: {  	_ =	shalt  }
0x6c: {  	_ =	shalt  }
0x6d: {  	_ =	shalt  }
0x6e: {  	_ =	shalt  }
0x6f: {  	_ =	shalt  }
0x70: {  	_ =	shalt  }
0x71: {  	_ =	shalt  }
0x72: {  	_ =	shalt  }
0x73: {  	_ =	shalt  }
0x74: {  	_ =	shalt  }
0x75: {  	_ =	shalt  }
0x76: {  	_ =	shalt  }
0x77: {  	_ =	shalt  }
0x78: {  	_ =	shalt  }
0x79: {  	_ =	shalt  }
0x7a: {  	_ =	shalt  }
0x7b: {  	_ =	shalt  }
0x7c: {  	_ =	shalt  }
0x7d: {  	_ =	shalt  }
0x7e: {  	_ =	shalt  }
0x7f: {  	_ =	shalt  }
0x80: {  	_ =	shalt  }
0x81: {  	_ =	shalt  }
0x82: {  	_ =	shalt  }
0x83: {  	_ =	shalt  }
0x84: {  	_ =	shalt  }
0x85: {  	_ =	shalt  }
0x86: {  	_ =	shalt  }
0x87: {  	_ =	shalt  }
.Lfunc_end0:
.L_simem_size_0:
called_computation_lowered:
.L_overlay_start_0:
0x88: {  	s2 =	sld [smem:$0x3FD9]  }
0x89: {  	s3 =	sld [smem:$0x3FFE];
	_ =	sdelay $0x1  }
0x8a: {  	s1 =	srdreg.scid  }
0x8b: {  	s0 =	sand.u32 $0x1, s1  }
0x8c: {  	s18 =	sshll.u32 s0, $0xA;
	s2 =	sadd.s32 s3, s2  }
0x8d: {  	s2 =	sadd.s32 s2, s18  }
0x8e: {  	[smem:$0x3FC6] =	sst s2  }
0x8f: {  	_ = 	snop  }
0x90: {  	s2 =	sld [smem:$0x3FC9]  }
0x91: {  	s19 =	sld [smem:$0x3FC8]  }
0x92: {  	s4 =	sld [smem:$0x3FD0];
	(tm) =	ssettm $0x1  }
0x93: {  	s5 =	sld [smem:$0x3FFB];
	_ =	sdelay $0x3  }
0x94: {  	_ =	strace s5  }
0x95: {  	s5 =	sld [smem:$0x3FFC];
	_ =	sdelay $0x3  }
0x96: {  	_ =	strace s5  }
0x97: {  	s5 =	sld [smem:$0x3FFD];
	_ =	sdelay $0x3  }
0x98: {  	_ =	strace s5  }
0x99: {  	_ =	strace $0x8FFFFFFF  }
0x9a: {  	s20 =	sld [smem:$0x3FDB];
	_ =	sdelay $0x1  }
0x9b: {  	s6 =	simm.s32 $_scs_section_size  }
0x9c: {  	s7 =	simm.s32 $_size__tile_overlayer_lowered;
	s8 =	simm.s32 $_tile_overlayer_lowered  }
0x9d: {  	s23 =	simm.s32 $0x1BFF;
	s22 =	sshll.u32 s8, $0x1;
	s5 =	sadd.s32 s6, s20  }
0x9e: {  	s9 =	simm.s32 $0x0;
	s21 =	sshll.u32 s7, $0x1;
	s7 =	sadd.s32 s22, s5  }
0x9f: {  	[timem:s9], [sflag:s23] =	dma.local [hbm:s7], s21  }
0xa0: {  	_ =	swait.ge [sflag:s23], s21  }
0xa1: {  	s6 =	ssub.s32 $0x0, s21;
	[sflag:s23] =	ssyncset.done $0x0  }
0xa2: {  	[sflag:s23] =	ssyncadd.s32 s6;
	_ =	sdelay $0x1  }
0xa3: {  	s24 =	simm.s32 $0x1B8B  }
0xa4: {  	_ =	swait.ge [sflag:s24], $0x1  }
0xa5: {  	[sflag:s24] =	ssyncset.done $0x0  }
0xa6: {  	s25 =	simm.s32 $0x1B8E;
	[sflag:s24] =	ssyncadd.s32 $0xFFFFFFFF  }
0xa7: {  	s26 =	simm.s32 $execute0_lowered;
	[smem:$0x3FD2] =	sst s25  }
0xa8: {  	s6 =	sshll.u32 s26, $0x1;
	_ =	strace $0x80000046;
	[dreg:$0x1] =	wrdreg $0xFFFFFFFF  }
0xa9: {  	s28 =	simm.s32 $_size_execute0_lowered;
	s5 =	sadd.s32 s5, s6;
	[dreg:$0x0] =	wrdreg $0x0  }
0xaa: {  	s6 =	sshll.u32 s28, $0x1;
	[dreg:$0x2] =	wrdreg s5  }
0xab: {  	[dreg:$0x3] =	wrdreg s6  }
0xac: {  	[dreg:$0x4] =	wrdreg $0xC0  }
0xad: {  	_ =	task [dreg:s9], $0x5FFFF  }
0xae: {  	[dreg:$0x1] =	wrdreg $0xFFFFFFFF  }
0xaf: {  	[dreg:$0x0] =	wrdreg $0x60  }
0xb0: {  	[dreg:$0x2] =	wrdreg s2  }
0xb1: {  	[dreg:$0x3] =	wrdreg s19  }
0xb2: {  	[dreg:$0x4] =	wrdreg s4  }
0xb3: {  	[dreg:$0x5] =	wrdreg $0x9  }
0xb4: {  	_ =	task.clear_ibuf [dreg:s9], $0x6FFFF;
	_ =	strace $0x90000046  }
0xb5: {  	s29 =	simm.s32 $0x9;
	_ =	strace $0x80000048  }
0xb6: {  	_ =	swait.ge [sflag:s29], $0x1  }
0xb7: {  	[sflag:s29] =	ssyncadd.s32 $0xFFFFFFFF  }
0xb8: {  	_ =	strace $0x90000048  }
0xb9: {  	_ =	sfence  }
0xba: {  	s30 =	sld [smem:$0x0];
	_ =	sdelay $0x2  }
0xbb: {  	s31 =	sshll.u32 s1, $0xD;
	s1 =	sshrl.u32 s1, $0x2  }
0xbc: {  	s3 =	sand.u32 $0x4000, s31;
	s1 =	sadd.s32 s1, s30  }
0xbd: {  	s0 =	sor.u32 s3, s0;
	s1 =	sshll.u32 s1, $0x11  }
0xbe: {  	s0 =	sor.u32 s1, s0  }
0xbf: {  	s0 =	sadd.s32 $0x8F2B, s0  }
0xc0: {  	[sflag:s0] =	ssyncadd.remote.s32 $0x1  }
0xc1: {  	_ =	sfence.sel $0xFFFF  }
0xc2: {  	[dreg:$0x0] =	wrdreg $0xFFFFFFFF;
	(pc) =	sbr.abs _section_cstart, $3  }
0xc3: {  	[dreg:$0x1] =	wrdreg $0xFFFFFFFF  }
0xc4: {  	_ =	task.clear_ibuf [dreg:s9], $0x2FFFF;
	_ =	strace $0x9FFFFFFF  }
0xc5: {  	(tm) =	ssettm $0x7FFFFFFF  }
tec
execute0_lowered:
.L_overlay_start_1:
0x0: {  	(tag) =	ssettag $0x1  }
0x1: {  	s1 =	rddreg [dreg:$0x0]  }
0x2: {  	s2 =	srdreg.scid;
	s3 =	rddreg [dreg:$0x1]  }
0x3: {  	s0 =	stileid.u32;
	s5 =	rddreg [dreg:$0x2];
	s6 =	simm.s32 $0x0  }
0x4: {  	s11 =	simm.s32 $0xB580;
	s12 =	simm.s32 $0x3;
	s13 =	simm.s32 $0x2C00  }
0x5: {  	s14 =	simm.s32 $0xC3800;
	s7 =	sand.u32 $0x1, s2;
	s31 =	sshll.u32 s0, $0x1  }
0x6: {  	s15 =	simm.s32 $0x5800;
	s16 =	simm.s32 $0xB000;
	s4 =	sor.u32 s7, s31  }
0x7: {  	s2 =	rddreg [dreg:$0x3];
	s9 =	ssub.s32 $0x2, s7;
	s8 =	smul.u32 $0x580, s4  }
0x8: {  	s17 =	simm.s32 $0x0;
	[smem:$0x7FF] =	sst s6;
	s10 =	sshrl.u32 s9, $0x1  }
0x9: {  	_ =	strace $0x80000047;
	s10 =	ssub.s32 s9, s10;
	s7 =	sadd.s32 s1, s8  }
0xa: {  	s9 =	sor.u32 $0x40, s4;
	s10 =	smax.u32 s10, $0x1;
	s8 =	sadd.s32 $0xB000, s7  }
.LBB2_1:
0xb: {  	[tilespmem:s11], [sflag:$0x3] =	stream.linear.gather [hbm4b:s3+s6], $0x200, $0x38;
	[tilespmem:$0xB780] =	vst v63  }
0xc: {  	_ =	swait.ge [sflag:s12], $0x200  }
0xd: {  	[sflag:s12] =	ssyncset.done $0x0  }
0xe: {  	[sflag:s12] =	ssyncadd.s32 $0xFFFFFE00  }
0xf: {  	[tilespmem:s6], [sflag:$0x1] =	stream.strided.gather [hbm4b:s7+s13], $0x5800, s14, s13, $0x38;
	[tilespmem:$0xB780] =	vst v63  }
0x10: {  	s18 =	simm.s32 $0x0  }
0x11: {  	[tilespmem:s15], [sflag:$0x2] =	stream.strided.gather [hbm4b:s8+s13], $0x5800, s14, s13, $0x38;
	[tilespmem:$0xB780] =	vst v63  }
.LBB2_2:
0x12: {  	s21 =	sshll.u32 s18, $0x5  }
0x13: {  	s20 =	sand.u32 $0x1, s18;
	s23 =	simm.s32 $0x0;
	s22 =	sor.u32 s4, s21  }
0x14: {  	s19 =	sadd.s32 $0x1, s20;
	s20 =	smul.u32 $0x16000, s20;
	s24 =	smin.u32 s22, $0x428  }
0x15: {  	s25 =	sand.u32 $0x3C00, s23;
	_ =	swait.ge [sflag:s19], $0x5800;
	s22 =	smulhi.u32 $0x39B0AD2, s24  }
0x16: {  	s28 =	sand.u32 $0x70, s23;
	[sflag:s19] =	ssyncset.done $0x0;
	s20 =	sshrl.u32 s20, $0x2  }
0x17: {  	[sflag:s19] =	ssyncadd.s32 $0xFFFFA800;
	s23 =	sadd.s32 s25, s20;
	s26 =	sshll.u32 s22, $0x4  }
0x18: {  	v15 =	vld [tilespmem:s26+$0xB580];
	s26 =	sadd.s32 s28, s23  }
0x19: {  	v3 =	vld [tilespmem:s26+$0x0]  }
0x1a: {  	v4 =	vld [tilespmem:s26+$0x80];
	_ =	sdelay $0x1  }
0x1b: {  	v5 =	vld [tilespmem:s26+$0x100]  }
0x1c: {  	v1 =	vbroadcast v15, $0x0;
	v2 =	vbroadcast v15, $0x1  }
0x1d: {  	v6 =	vld [tilespmem:s26+$0x180];
	v0 =	vbroadcast v15, $0x2  }
0x1e: {  	v7 =	vmul.f32 v3, v1;
	v4 =	vmul.f32 v4, v2  }
0x1f: {  	v8 =	vld [tilespmem:s26+$0x200]  }
0x20: {  	v3 =	vbroadcast v15, $0x3;
	v5 =	vmul.f32 v5, v0;
	v7 =	vadd.f32 v4, v7  }
0x21: {  	v9 =	vld [tilespmem:s26+$0x280]  }
0x22: {  	v4 =	vbroadcast v15, $0x4;
	v6 =	vmul.f32 v6, v3;
	v7 =	vadd.f32 v5, v7  }
0x23: {  	v10 =	vld [tilespmem:s26+$0x300]  }
0x24: {  	s23 =	sadd.s32 $0x2C00, s20;
	v5 =	vbroadcast v15, $0x5;
	v8 =	vmul.f32 v8, v4;
	v7 =	vadd.f32 v6, v7  }
0x25: {  	v11 =	vld [tilespmem:s26+$0x380];
	s25 =	sadd.s32 s25, s23  }
0x26: {  	s25 =	sadd.s32 s28, s25;
	v6 =	vbroadcast v15, $0x6;
	v9 =	vmul.f32 v9, v5;
	v8 =	vadd.f32 v8, v7  }
0x27: {  	v12 =	vld [tilespmem:s25+$0x0]  }
0x28: {  	v7 =	vbroadcast v15, $0x7;
	v10 =	vmul.f32 v10, v6;
	v9 =	vadd.f32 v9, v8  }
0x29: {  	v13 =	vld [tilespmem:s25+$0x80]  }
0x2a: {  	v8 =	vbroadcast v15, $0x8;
	v11 =	vmul.f32 v11, v7;
	v10 =	vadd.f32 v10, v9  }
0x2b: {  	v14 =	vld [tilespmem:s25+$0x100]  }
0x2c: {  	v9 =	vbroadcast v15, $0x9;
	v12 =	vmul.f32 v12, v8;
	v11 =	vadd.f32 v11, v10  }
0x2d: {  	v16 =	vld [tilespmem:s25+$0x180]  }
0x2e: {  	v10 =	vbroadcast v15, $0xA;
	v13 =	vmul.f32 v13, v9;
	v12 =	vadd.f32 v12, v11  }
0x2f: {  	v17 =	vld [tilespmem:s25+$0x200]  }
0x30: {  	v11 =	vbroadcast v15, $0xB;
	v14 =	vmul.f32 v14, v10;
	v13 =	vadd.f32 v13, v12  }
0x31: {  	v18 =	vld [tilespmem:s25+$0x280]  }
0x32: {  	v12 =	vbroadcast v15, $0xC;
	v16 =	vmul.f32 v16, v11;
	v14 =	vadd.f32 v14, v13  }
0x33: {  	v19 =	vld [tilespmem:s25+$0x300]  }
0x34: {  	v13 =	vbroadcast v15, $0xD;
	v17 =	vmul.f32 v17, v12;
	v16 =	vadd.f32 v16, v14  }
0x35: {  	v20 =	vld [tilespmem:s25+$0x380]  }
0x36: {  	v14 =	vbroadcast v15, $0xE;
	v16 =	vadd.f32 v17, v16;
	v17 =	vmul.f32 v18, v13;
	_ =	sdelay $0x1  }
0x37: {  	v15 =	vbroadcast v15, $0xF;
	v16 =	vadd.f32 v17, v16;
	v17 =	vmul.f32 v19, v14  }
0x38: {  	s26 =	smul.u32 $0x47, s22  }
0x39: {  	v16 =	vadd.f32 v17, v16;
	v17 =	vmul.f32 v20, v15  }
0x3a: {  	s25 =	ssub.s32 s24, s26;
	s26 =	simm.s32 $0x80  }
0x3b: {  	s28 =	simm.s32 $0x10;
	s24 =	simm.s32 $0xB000;
	s30 =	sand.u32 $0x3C00, s26;
	v16 =	vadd.f32 v17, v16  }
0x3c: {  	s29 =	sand.u32 $0x70, s28;
	s28 =	simm.s32 $0x20;
	s31 =	sadd.s32 s30, s20  }
.LBB2_3:
0x3d: {  	p0 =	sne.s32 s28, $0x570;
	s31 =	sadd.s32 s29, s31;
	[tilespmem:s24+$0x0] =	vst v16  }
0x3e: {  	v16 =	vld [tilespmem:s31+$0x0]  }
0x3f: {  	v17 =	vld [tilespmem:s31+$0x80];
	_ =	sdelay $0x1  }
0x40: {  	v18 =	vld [tilespmem:s31+$0x100];
	_ =	sdelay $0x1  }
0x41: {  	v19 =	vld [tilespmem:s31+$0x180]  }
0x42: {  	v16 =	vmul.f32 v16, v1;
	v17 =	vmul.f32 v17, v2  }
0x43: {  	v20 =	vld [tilespmem:s31+$0x200]  }
0x44: {  	v16 =	vadd.f32 v17, v16;
	v17 =	vmul.f32 v18, v0  }
0x45: {  	v18 =	vld [tilespmem:s31+$0x280]  }
0x46: {  	v16 =	vadd.f32 v17, v16;
	v17 =	vmul.f32 v19, v3  }
0x47: {  	v19 =	vld [tilespmem:s31+$0x300]  }
0x48: {  	v16 =	vadd.f32 v17, v16;
	v17 =	vmul.f32 v20, v4  }
0x49: {  	s30 =	sadd.s32 s30, s23;
	v20 =	vld [tilespmem:s31+$0x380]  }
0x4a: {  	s29 =	sadd.s32 s29, s30;
	v16 =	vadd.f32 v17, v16;
	v17 =	vmul.f32 v18, v5  }
0x4b: {  	v18 =	vld [tilespmem:s29+$0x0]  }
0x4c: {  	v16 =	vadd.f32 v17, v16;
	v17 =	vmul.f32 v19, v6  }
0x4d: {  	v19 =	vld [tilespmem:s29+$0x80]  }
0x4e: {  	v16 =	vadd.f32 v17, v16;
	v17 =	vmul.f32 v20, v7  }
0x4f: {  	v20 =	vld [tilespmem:s29+$0x100]  }
0x50: {  	v16 =	vadd.f32 v17, v16;
	v17 =	vmul.f32 v18, v8  }
0x51: {  	v18 =	vld [tilespmem:s29+$0x180]  }
0x52: {  	v16 =	vadd.f32 v17, v16;
	v17 =	vmul.f32 v19, v9  }
0x53: {  	v19 =	vld [tilespmem:s29+$0x200]  }
0x54: {  	v16 =	vadd.f32 v17, v16;
	v17 =	vmul.f32 v20, v10  }
0x55: {  	v20 =	vld [tilespmem:s29+$0x280]  }
0x56: {  	v16 =	vadd.f32 v17, v16;
	v17 =	vmul.f32 v18, v11  }
0x57: {  	v18 =	vld [tilespmem:s29+$0x300]  }
0x58: {  	v16 =	vadd.f32 v17, v16;
	v17 =	vmul.f32 v19, v12  }
0x59: {  	v19 =	vld [tilespmem:s29+$0x380]  }
0x5a: {  	v16 =	vadd.f32 v17, v16;
	v17 =	vmul.f32 v20, v13;
	_ =	sdelay $0x1  }
0x5b: {  	v16 =	vadd.f32 v17, v16;
	v17 =	vmul.f32 v18, v14  }
.Ltmp0:
0x5c: {  	(pc) =	sbr.rel @p0 .LBB2_3-.Ltmp0, $4  }
0x5d: {  	v16 =	vadd.f32 v17, v16;
	v17 =	vmul.f32 v19, v15  }
0x5e: {  	s26 =	sadd.s32 $0x80, s26  }
0x5f: {  	s24 =	sadd.s32 $0x10, s24;
	s30 =	sand.u32 $0x3C00, s26;
	v16 =	vadd.f32 v17, v16  }
0x60: {  	s31 =	sadd.s32 s30, s20;
	s29 =	sand.u32 $0x70, s28;
	s28 =	sadd.s32 $0x10, s28  }
0x61: {  	s26 =	sadd.s32 s29, s31;
	[tilespmem:s24+$0x0] =	vst v16  }
0x62: {  	v16 =	vld [tilespmem:s26+$0x0]  }
0x63: {  	v17 =	vld [tilespmem:s26+$0x80];
	_ =	sdelay $0x1  }
0x64: {  	v18 =	vld [tilespmem:s26+$0x100];
	_ =	sdelay $0x1  }
0x65: {  	v19 =	vld [tilespmem:s26+$0x180]  }
0x66: {  	v1 =	vmul.f32 v16, v1;
	v2 =	vmul.f32 v17, v2  }
0x67: {  	v39 =	vld [tilespmem:s26+$0x200]  }
0x68: {  	v0 =	vmul.f32 v18, v0;
	v1 =	vadd.f32 v2, v1  }
0x69: {  	v40 =	vld [tilespmem:s26+$0x280]  }
0x6a: {  	v41 =	vmul.f32 v19, v3;
	v0 =	vadd.f32 v0, v1  }
0x6b: {  	v42 =	vld [tilespmem:s26+$0x300]  }
0x6c: {  	v43 =	vmul.f32 v39, v4;
	v0 =	vadd.f32 v41, v0  }
0x6d: {  	s23 =	sadd.s32 s30, s23;
	v44 =	vld [tilespmem:s26+$0x380]  }
0x6e: {  	s23 =	sadd.s32 s29, s23;
	v45 =	vmul.f32 v40, v5;
	v0 =	vadd.f32 v43, v0  }
0x6f: {  	v46 =	vld [tilespmem:s23+$0x0]  }
0x70: {  	v47 =	vmul.f32 v42, v6;
	v0 =	vadd.f32 v45, v0  }
0x71: {  	v48 =	vld [tilespmem:s23+$0x80]  }
0x72: {  	v49 =	vmul.f32 v44, v7;
	v0 =	vadd.f32 v47, v0  }
0x73: {  	v50 =	vld [tilespmem:s23+$0x100]  }
0x74: {  	v51 =	vmul.f32 v46, v8;
	v0 =	vadd.f32 v49, v0  }
0x75: {  	v52 =	vld [tilespmem:s23+$0x180]  }
0x76: {  	v53 =	vmul.f32 v48, v9;
	v0 =	vadd.f32 v51, v0  }
0x77: {  	v54 =	vld [tilespmem:s23+$0x200]  }
0x78: {  	v55 =	vmul.f32 v50, v10;
	v0 =	vadd.f32 v53, v0  }
0x79: {  	v56 =	vld [tilespmem:s23+$0x280]  }
0x7a: {  	v57 =	vmul.f32 v52, v11;
	v0 =	vadd.f32 v55, v0  }
0x7b: {  	v58 =	vld [tilespmem:s23+$0x300]  }
0x7c: {  	v59 =	vmul.f32 v54, v12;
	v0 =	vadd.f32 v57, v0  }
0x7d: {  	v60 =	vld [tilespmem:s23+$0x380]  }
0x7e: {  	p0 =	sgt.u32 s18, $0x1F;
	v61 =	vmul.f32 v56, v13;
	v0 =	vadd.f32 v59, v0  }
0x7f: {  	s21 =	sadd.s32 @!p0 s9, s21  }
0x80: {  	s30 =	smul.u32 $0x580, s25;
	s21 =	smin.u32 @!p0 s21, $0x428;
	v62 =	vmul.f32 v58, v14;
	v0 =	vadd.f32 v61, v0  }
0x81: {  	s23 =	smulhi.u32 @!p0 $0x39B0AD2, s21  }
0x82: {  	s22 =	smul.u32 $0x19000, s22;
	v63 =	vmul.f32 v60, v15;
	v0 =	vadd.f32 v62, v0  }
0x83: {  	s31 =	sadd.s32 $0x10, s24;
	s24 =	smul.u32 @!p0 $0x47, s23  }
0x84: {  	s22 =	sadd.s32 s30, s22;
	v0 =	vadd.f32 v63, v0  }
0x85: {  	s22 =	sshrl.u32 s22, $0x3;
	s21 =	ssub.s32 @!p0 s21, s24  }
0x86: {  	s22 =	sadd.s32 s5, s22;
	s21 =	smul.u32 @!p0 $0x2C00, s21;
	[tilespmem:s31+$0x0] =	vst v0  }
0x87: {  	[hbm4b:s22+s6] =	stream.linear.scatter [tilespmem:s16], [sflag:$0x3], $0x580, $0x38;
	[tilespmem:$0xB780] =	vst v63  }
0x88: {  	s22 =	smul.u32 @!p0 $0x187000, s23;
	_ =	sdelay $0x1  }
0x89: {  	s18 =	sadd.s32 $0x1, s18;
	_ =	swait.ge [sflag:s12], $0x580;
	s21 =	sadd.s32 @!p0 s21, s22  }
0x8a: {  	s23 =	simm.s32 @!p0 $0xC3800;
	[sflag:s12] =	ssyncset.done $0x0;
	s21 =	sshrl.u32 @!p0 s21, $0x3  }
0x8b: {  	s22 =	simm.s32 @!p0 $0x2C00;
	[sflag:s12] =	ssyncadd.s32 $0xFFFFFA80;
	s21 =	sadd.s32 @!p0 s1, s21  }
0x8c: {  	[tilespmem:s20], [sflag:s19] =	stream.strided.gather @!p0 [hbm4b:s21+s22], $0x5800, s23, s22, $0x38;
	[tilespmem:$0xB780] =	vst v63  }
0x8d: {  	p0 =	sne.s32 s18, $0x22  }
.Ltmp1:
0x8e: {  	_ = 	snop;
	(pc) =	sbr.rel @p0 .LBB2_2-.Ltmp1, $1  }
0x8f: {  	_ =	sdelay $0x3  }
0x90: {  	s17 =	sadd.s32 $0x1, s17  }
0x91: {  	p0 =	sne.s32 s17, s10  }
.Ltmp2:
0x92: {  	_ = 	snop;
	(pc) =	sbr.rel @p0 .LBB2_1-.Ltmp2, $1  }
0x93: {  	_ =	sdelay $0x3  }
0x94: {  	_ =	sfence.sel $0x180000  }
0x95: {  	[bflag:$0x0] =	sbarrier.arrive $0xFFFF  }
0x96: {  	p0 =	sne.s32 s0, $0x0;
	_ =	strace $0x90000047  }
0x97: {  	s0 =	sadd.s32 @!p0 $0x100000, s2;
	[bflag:$0x2] =	sbarrier.arrive $0xFFFF  }
0x98: {  	[sflag:s0] =	ssyncadd.tile.s32 @!p0 $0x1;
	_ =	shalt  }
.Lfunc_end2:
_tile_overlayer_lowered:
.L_overlay_start_2:
0x99: {  	(tag) =	ssettag $0x2  }
0x9a: {  	s0 =	rddreg [dreg:$0x0];
	s2 =	stileid.u32  }
0x9b: {  	s1 =	rddreg [dreg:$0x1];
	p0 =	sne.s32 s2, $0x0  }
0x9c: {  	s3 =	rddreg [dreg:$0x2];
	[bflag:$0x3] =	sbarrier.arrive $0xFFFF;
	s2 =	simm.s32 @!p0 $0x1C03  }
0x9d: {  	[timem:s3], [sflag:s2] =	dma.local @!p0 [hbm:s0], s1  }
0x9e: {  	s0 =	simm.s32 @!p0 $0x3  }
0x9f: {  	_ =	swait.ge @!p0 [sflag:s0], s1  }
0xa0: {  	s1 =	ssub.s32 @!p0 $0x0, s1;
	[sflag:s0] =	ssyncset.done @!p0 $0x0  }
0xa1: {  	[sflag:s0] =	ssyncadd.s32 @!p0 s1  }
0xa2: {  	[bflag:$0x3] =	sbarrier.arrive $0xFFFF  }
0xa3: {  	_ =	shalt  }

</sc_bundles>
